<compile_context>
chip_gen: v7x
topology: tpu7x:2x2x1
jax: 0.10.2.dev20260603
libtpu: 0.0.44.dev20260713+nightly
codegen_flags: <defaults>
</compile_context>

<pallas_src>
import functools

import jax
import jax.numpy as jnp
from jax import lax
from jax.experimental import pallas as pl
from jax.experimental.pallas import tpu as pltpu
from jax.experimental.pallas import tpu_sc as plsc

_L = 16
_PW = 8
_CH = 64


def _make_kernel(n_nodes, n_edges, block):
    info = plsc.get_sparse_core_info()
    nc, ns = info.num_cores, info.num_subcores
    nw = nc * ns
    assert n_edges % (nw * block) == 0, (n_edges, nw, block)
    assert block % _L == 0
    per_w = n_edges // nw
    nblk = per_w // block
    ngrp = block // _L
    nch = block // _CH

    mesh = plsc.VectorSubcoreMesh(core_axis_name="c", subcore_axis_name="s")

    @functools.partial(
        pl.kernel,
        out_type=(
            jax.ShapeDtypeStruct((3 * n_edges,), jnp.float32),
            jax.ShapeDtypeStruct((n_edges,), jnp.float32),
        ),
        mesh=mesh,
        scratch_types=[
            pltpu.VMEM_SHARED((n_nodes, _PW), jnp.float32),
            pltpu.VMEM((block,), jnp.int32),
            pltpu.VMEM((block,), jnp.int32),
            pltpu.VMEM((3 * block,), jnp.float32),
            pltpu.VMEM((block, _PW), jnp.float32),
            pltpu.VMEM((block, _PW), jnp.float32),
            pltpu.VMEM((3 * block,), jnp.float32),
            pltpu.VMEM((block,), jnp.float32),
            pltpu.SemaphoreType.DMA,
        ],
        compiler_params=pltpu.CompilerParams(
            needs_layout_passes=False, use_tc_tiling_on_sc=False
        ),
    )
    def run(xyz_hbm, pi_hbm, pj_hbm, off_hbm, diff_hbm, dist_hbm,
            xyz_sp, idx_i, idx_j, off_v, rows_i, rows_j, diff_v, dist_v, sem):
        c = lax.axis_index("c")
        s = lax.axis_index("s")
        wid = s * nc + c

        @pl.when(s == 0)
        def _stage():
            pltpu.sync_copy(xyz_hbm, xyz_sp)

        plsc.subcore_barrier()

        iota = lax.iota(jnp.int32, _L)
        czero = jnp.zeros((_L,), jnp.int32)
        cone = jnp.ones((_L,), jnp.int32)
        ctwo = cone + cone
        base_w = wid * per_w

        def blk_body(blk, carry):
            base = base_w + blk * block
            pltpu.sync_copy(pi_hbm.at[pl.ds(base, block)], idx_i)
            pltpu.sync_copy(pj_hbm.at[pl.ds(base, block)], idx_j)
            pltpu.sync_copy(off_hbm.at[pl.ds(3 * base, 3 * block)], off_v)
            cp_i = pltpu.async_copy(xyz_sp.at[idx_i], rows_i, sem)
            cp_j = pltpu.async_copy(xyz_sp.at[idx_j], rows_j, sem)
            cp_i.wait()
            cp_j.wait()

            def grp_body(g, carry2):
                e0 = g * _L
                ei = e0 + iota
                p3 = ei * 3
                p31 = p3 + cone
                p32 = p31 + cone
                xi = plsc.load_gather(rows_i, [ei, czero])
                yi = plsc.load_gather(rows_i, [ei, cone])
                zi = plsc.load_gather(rows_i, [ei, ctwo])
                xj = plsc.load_gather(rows_j, [ei, czero])
                yj = plsc.load_gather(rows_j, [ei, cone])
                zj = plsc.load_gather(rows_j, [ei, ctwo])
                ox = plsc.load_gather(off_v, [p3])
                oy = plsc.load_gather(off_v, [p31])
                oz = plsc.load_gather(off_v, [p32])
                dx = xj - xi + ox
                dy = yj - yi + oy
                dz = zj - zi + oz
                plsc.store_scatter(diff_v, [p3], dx)
                plsc.store_scatter(diff_v, [p31], dy)
                plsc.store_scatter(diff_v, [p32], dz)
                s2 = dx * dx + dy * dy + dz * dz
                ibits = plsc.bitcast(s2, jnp.int32)
                y = plsc.bitcast(jnp.int32(0x5F3759DF) - (ibits >> 1),
                                 jnp.float32)
                hs = s2 * 0.5
                y = y * (1.5 - hs * y * y)
                y = y * (1.5 - hs * y * y)
                y = y * (1.5 - hs * y * y)
                dist_v[pl.ds(e0, _L)] = s2 * y
                return carry2

            lax.fori_loop(0, ngrp, grp_body, 0)
            pltpu.sync_copy(diff_v, diff_hbm.at[pl.ds(3 * base, 3 * block)])
            pltpu.sync_copy(dist_v, dist_hbm.at[pl.ds(base, block)])
            return carry

        lax.fori_loop(0, nblk, blk_body, 0)

    return run


def kernel(xyz, pair_i, pair_j, offsets):
    n_nodes = xyz.shape[0]
    n_edges = pair_i.shape[0]
    run = _make_kernel(n_nodes, n_edges, block=1600)
    xyz_p = jnp.zeros((n_nodes, _PW), jnp.float32).at[:, :3].set(xyz)
    diff_flat, dist = run(
        xyz_p,
        pair_i.astype(jnp.int32),
        pair_j.astype(jnp.int32),
        offsets.reshape(-1),
    )
    return diff_flat.reshape(n_edges, 3), dist

# --- scband reference (transcript-rebuilt; emitter-appended) ---
"""Pipeline reference for scband-pairwise-distances-66992899883035 (READ-ONLY COPY).

The authoritative reference and input builder live on the scoring server;
editing this copy changes nothing except your own understanding.
"""

import jax, jax.numpy as jnp
import numpy as np

N_NODES = 100000
N_EDGES = 6400000


def setup_inputs(seed: int = 0) -> dict:
    key = jax.random.key(seed)
    k1, k2, k3, k4 = jax.random.split(key, 4)
    xyz = jax.random.normal(k1, (N_NODES, 3), dtype=jnp.float32)
    pair_i = jax.random.randint(k2, (N_EDGES,), 0, N_NODES, dtype=jnp.int32)
    pair_j = jax.random.randint(k3, (N_EDGES,), 0, N_NODES, dtype=jnp.int32)
    offsets = jax.random.normal(k4, (N_EDGES, 3), dtype=jnp.float32) * 0.1
    return {"xyz": xyz, "pair_i": pair_i, "pair_j": pair_j, "offsets": offsets}


def reference(xyz, pair_i, pair_j, offsets):
    # Faithful translation of PairwiseDistances.forward
    pair_i = pair_i.astype(jnp.int32)
    pair_j = pair_j.astype(jnp.int32)
    # original code builds and sorts the concatenated pair index tensor
    # (result is unused in the original module; kept for faithfulness)
    pairs = jnp.sort(jnp.concatenate((pair_i, pair_j), axis=-1), axis=-1)
    del pairs
    # gather-heavy core: two gathers over xyz by edge endpoints
    pair_diff = jnp.take(xyz, pair_j, axis=0) - jnp.take(xyz, pair_i, axis=0) + offsets
    pair_dist = jnp.linalg.norm(pair_diff, axis=-1)
    return pair_diff, pair_dist

if __name__ == "__main__":
    import jax
    _d = setup_inputs()
    print(jax.jit(kernel)(*tuple(_d.values())))

</pallas_src>

<mosaic_0001>
#map = affine_map<(d0, d1) -> (0, 0)>
#map1 = affine_map<(d0, d1) -> (0)>
module attributes {stable_mosaic.version = 14 : i64} {
  func.func @run(%arg0: i32, %arg1: i32, %arg2: memref<100000x8xf32, #tpu.memory_space<hbm>>, %arg3: memref<6400000xi32, #tpu.memory_space<hbm>>, %arg4: memref<6400000xi32, #tpu.memory_space<hbm>>, %arg5: memref<19200000xf32, #tpu.memory_space<hbm>>, %arg6: memref<19200000xf32, #tpu.memory_space<hbm>>, %arg7: memref<6400000xf32, #tpu.memory_space<hbm>>, %arg8: memref<100000x8xf32, #tpu.memory_space<vmem_shared>>, %arg9: memref<1600xi32, #tpu.memory_space<vmem>>, %arg10: memref<1600xi32, #tpu.memory_space<vmem>>, %arg11: memref<4800xf32, #tpu.memory_space<vmem>>, %arg12: memref<1600x8xf32, #tpu.memory_space<vmem>>, %arg13: memref<1600x8xf32, #tpu.memory_space<vmem>>, %arg14: memref<4800xf32, #tpu.memory_space<vmem>>, %arg15: memref<1600xf32, #tpu.memory_space<vmem>>, %arg16: memref<!tpu.dma_semaphore, #tpu.memory_space<semaphore_mem>>) attributes {dimension_semantics = [#tpu.dimension_semantics<core_parallel>, #tpu.dimension_semantics<subcore_parallel>], iteration_bounds = array<i64: 2, 16>, scalar_prefetch = 0 : i64, scratch_operands = 9 : i64, tpu.core_type = #tpu.core_type<sc_vector_subcore>, window_params = [{transform_indices = #map}, {transform_indices = #map1}, {transform_indices = #map1}, {transform_indices = #map1}, {transform_indices = #map1}, {transform_indices = #map1}]} {
    %mul3A = arith.constant 2 : i32
    %mul3A_0 = arith.muli %arg1, %mul3A : i32
    %add3A = arith.addi %mul3A_0, %arg0 : i32
    %eq3A = arith.constant 0 : i32
    %eq3A_1 = arith.cmpi eq, %arg1, %eq3A : i32
    %convert_element_type3A = arith.extui %eq3A_1 : i1 to i32
    %cond3A = arith.constant 0 : i32
    %cond3A_2 = arith.cmpi ne, %convert_element_type3A, %cond3A : i32
    scf.if %cond3A_2 {
      "tpu.region"() ({
        %run_scoped3A = tpu.sem_alloc : memref<!tpu.dma_semaphore, #tpu.memory_space<semaphore_mem>>
        tpu.enqueue_dma source(%arg2 : memref<100000x8xf32, #tpu.memory_space<hbm>>) target(%arg8 : memref<100000x8xf32, #tpu.memory_space<vmem_shared>>) target_semaphore(%run_scoped3A : memref<!tpu.dma_semaphore, #tpu.memory_space<semaphore_mem>>)
        tpu.wait_dma2 semaphore(%run_scoped3A : memref<!tpu.dma_semaphore, #tpu.memory_space<semaphore_mem>>) src(%arg2 : memref<100000x8xf32, #tpu.memory_space<hbm>>) dst(%arg8 : memref<100000x8xf32, #tpu.memory_space<vmem_shared>>)
        tpu.yield
      }) : () -> ()
    } else {
    }
    %barrier3A = arith.constant 0 : index
    tpu.barrier barrier_id(%barrier3A)
    %iota3A = tpu.iota {dimensions = array<i32: 0>} : vector<16xi32>
    %broadcast_in_dim3A = arith.constant 0 : i32
    %broadcast_in_dim3A_3 = vector.broadcast %broadcast_in_dim3A : i32 to vector<16xi32>
    %broadcast_in_dim3A_4 = arith.constant 1 : i32
    %broadcast_in_dim3A_5 = vector.broadcast %broadcast_in_dim3A_4 : i32 to vector<16xi32>
    %add3A_6 = arith.addi %broadcast_in_dim3A_5, %broadcast_in_dim3A_5 : vector<16xi32>
    %mul3A_7 = arith.constant 200000 : i32
    %mul3A_8 = arith.muli %add3A, %mul3A_7 : i32
    %scan3A = arith.constant 0 : i32
    %scan3A_9 = arith.constant 0 : i32
    %scan3A_10 = arith.constant 125 : i32
    %scan3A_11 = arith.addi %scan3A_9, %scan3A_10 : i32
    %scan3A_12 = arith.constant 1 : i32
    scf.for %scan3A_14 = %scan3A_9 to %scan3A_11 step %scan3A_12  : i32 {
      %mul3A_15 = arith.constant 1600 : i32
      %mul3A_16 = arith.muli %scan3A_14, %mul3A_15 : i32
      %add3A_17 = arith.addi %mul3A_8, %mul3A_16 : i32
      "tpu.region"() ({
        %run_scoped3A = tpu.sem_alloc : memref<!tpu.dma_semaphore, #tpu.memory_space<semaphore_mem>>
        %dma_start3A_38 = tpu.memref_slice %arg3[%add3A_17] : memref<6400000xi32, #tpu.memory_space<hbm>> -> memref<1600xi32, #tpu.memory_space<hbm>>
        %dma_start3A_39 = tpu.memref_slice %arg3[%add3A_17] : memref<6400000xi32, #tpu.memory_space<hbm>> -> memref<1600xi32, #tpu.memory_space<hbm>>
        tpu.enqueue_dma source(%dma_start3A_39 : memref<1600xi32, #tpu.memory_space<hbm>>) target(%arg9 : memref<1600xi32, #tpu.memory_space<vmem>>) target_semaphore(%run_scoped3A : memref<!tpu.dma_semaphore, #tpu.memory_space<semaphore_mem>>)
        %dma_wait3A_40 = tpu.memref_slice %arg3[%add3A_17] : memref<6400000xi32, #tpu.memory_space<hbm>> -> memref<1600xi32, #tpu.memory_space<hbm>>
        %dma_wait3A_41 = tpu.memref_slice %arg3[%add3A_17] : memref<6400000xi32, #tpu.memory_space<hbm>> -> memref<1600xi32, #tpu.memory_space<hbm>>
        tpu.wait_dma2 semaphore(%run_scoped3A : memref<!tpu.dma_semaphore, #tpu.memory_space<semaphore_mem>>) src(%dma_wait3A_41 : memref<1600xi32, #tpu.memory_space<hbm>>) dst(%arg9 : memref<1600xi32, #tpu.memory_space<vmem>>)
        tpu.yield
      }) : () -> ()
      "tpu.region"() ({
        %run_scoped3A = tpu.sem_alloc : memref<!tpu.dma_semaphore, #tpu.memory_space<semaphore_mem>>
        %dma_start3A_38 = tpu.memref_slice %arg4[%add3A_17] : memref<6400000xi32, #tpu.memory_space<hbm>> -> memref<1600xi32, #tpu.memory_space<hbm>>
        %dma_start3A_39 = tpu.memref_slice %arg4[%add3A_17] : memref<6400000xi32, #tpu.memory_space<hbm>> -> memref<1600xi32, #tpu.memory_space<hbm>>
        tpu.enqueue_dma source(%dma_start3A_39 : memref<1600xi32, #tpu.memory_space<hbm>>) target(%arg10 : memref<1600xi32, #tpu.memory_space<vmem>>) target_semaphore(%run_scoped3A : memref<!tpu.dma_semaphore, #tpu.memory_space<semaphore_mem>>)
        %dma_wait3A_40 = tpu.memref_slice %arg4[%add3A_17] : memref<6400000xi32, #tpu.memory_space<hbm>> -> memref<1600xi32, #tpu.memory_space<hbm>>
        %dma_wait3A_41 = tpu.memref_slice %arg4[%add3A_17] : memref<6400000xi32, #tpu.memory_space<hbm>> -> memref<1600xi32, #tpu.memory_space<hbm>>
        tpu.wait_dma2 semaphore(%run_scoped3A : memref<!tpu.dma_semaphore, #tpu.memory_space<semaphore_mem>>) src(%dma_wait3A_41 : memref<1600xi32, #tpu.memory_space<hbm>>) dst(%arg10 : memref<1600xi32, #tpu.memory_space<vmem>>)
        tpu.yield
      }) : () -> ()
      %mul3A_18 = arith.constant 3 : i32
      %mul3A_19 = arith.muli %mul3A_18, %add3A_17 : i32
      "tpu.region"() ({
        %run_scoped3A = tpu.sem_alloc : memref<!tpu.dma_semaphore, #tpu.memory_space<semaphore_mem>>
        %dma_start3A_38 = tpu.memref_slice %arg5[%mul3A_19] : memref<19200000xf32, #tpu.memory_space<hbm>> -> memref<4800xf32, #tpu.memory_space<hbm>>
        %dma_start3A_39 = tpu.memref_slice %arg5[%mul3A_19] : memref<19200000xf32, #tpu.memory_space<hbm>> -> memref<4800xf32, #tpu.memory_space<hbm>>
        tpu.enqueue_dma source(%dma_start3A_39 : memref<4800xf32, #tpu.memory_space<hbm>>) target(%arg11 : memref<4800xf32, #tpu.memory_space<vmem>>) target_semaphore(%run_scoped3A : memref<!tpu.dma_semaphore, #tpu.memory_space<semaphore_mem>>)
        %dma_wait3A_40 = tpu.memref_slice %arg5[%mul3A_19] : memref<19200000xf32, #tpu.memory_space<hbm>> -> memref<4800xf32, #tpu.memory_space<hbm>>
        %dma_wait3A_41 = tpu.memref_slice %arg5[%mul3A_19] : memref<19200000xf32, #tpu.memory_space<hbm>> -> memref<4800xf32, #tpu.memory_space<hbm>>
        tpu.wait_dma2 semaphore(%run_scoped3A : memref<!tpu.dma_semaphore, #tpu.memory_space<semaphore_mem>>) src(%dma_wait3A_41 : memref<4800xf32, #tpu.memory_space<hbm>>) dst(%arg11 : memref<4800xf32, #tpu.memory_space<vmem>>)
        tpu.yield
      }) : () -> ()
      %dma_start3A = arith.constant 0 : i32
      %dma_start3A_20 = arith.constant 0 : i32
      %dma_start3A_21 = tpu.memref_slice %arg8[%dma_start3A, %dma_start3A_20] : memref<100000x8xf32, #tpu.memory_space<vmem_shared>> -> memref<100000x8xf32, #tpu.memory_space<vmem_shared>>
      tpu.enqueue_indirect_dma source(%dma_start3A_21 : memref<100000x8xf32, #tpu.memory_space<vmem_shared>>) target(%arg12 : memref<1600x8xf32, #tpu.memory_space<vmem>>) offsets(%arg9 : memref<1600xi32, #tpu.memory_space<vmem>>) semaphore(%arg16 : memref<!tpu.dma_semaphore, #tpu.memory_space<semaphore_mem>>)
      %dma_start3A_22 = arith.constant 0 : i32
      %dma_start3A_23 = arith.constant 0 : i32
      %dma_start3A_24 = tpu.memref_slice %arg8[%dma_start3A_22, %dma_start3A_23] : memref<100000x8xf32, #tpu.memory_space<vmem_shared>> -> memref<100000x8xf32, #tpu.memory_space<vmem_shared>>
      tpu.enqueue_indirect_dma source(%dma_start3A_24 : memref<100000x8xf32, #tpu.memory_space<vmem_shared>>) target(%arg13 : memref<1600x8xf32, #tpu.memory_space<vmem>>) offsets(%arg10 : memref<1600xi32, #tpu.memory_space<vmem>>) semaphore(%arg16 : memref<!tpu.dma_semaphore, #tpu.memory_space<semaphore_mem>>)
      %dma_wait3A = arith.constant 0 : i32
      %dma_wait3A_25 = arith.constant 0 : i32
      %dma_wait3A_26 = tpu.memref_slice %arg8[%dma_wait3A, %dma_wait3A_25] : memref<100000x8xf32, #tpu.memory_space<vmem_shared>> -> memref<100000x8xf32, #tpu.memory_space<vmem_shared>>
      tpu.wait_indirect_dma semaphore(%arg16 : memref<!tpu.dma_semaphore, #tpu.memory_space<semaphore_mem>>) src(%dma_wait3A_26 : memref<100000x8xf32, #tpu.memory_space<vmem_shared>>) dst(%arg12 : memref<1600x8xf32, #tpu.memory_space<vmem>>)
      %dma_wait3A_27 = arith.constant 0 : i32
      %dma_wait3A_28 = arith.constant 0 : i32
      %dma_wait3A_29 = tpu.memref_slice %arg8[%dma_wait3A_27, %dma_wait3A_28] : memref<100000x8xf32, #tpu.memory_space<vmem_shared>> -> memref<100000x8xf32, #tpu.memory_space<vmem_shared>>
      tpu.wait_indirect_dma semaphore(%arg16 : memref<!tpu.dma_semaphore, #tpu.memory_space<semaphore_mem>>) src(%dma_wait3A_29 : memref<100000x8xf32, #tpu.memory_space<vmem_shared>>) dst(%arg13 : memref<1600x8xf32, #tpu.memory_space<vmem>>)
      %scan3A_30 = arith.constant 0 : i32
      %scan3A_31 = arith.constant 0 : i32
      %scan3A_32 = arith.constant 100 : i32
      %scan3A_33 = arith.addi %scan3A_31, %scan3A_32 : i32
      %scan3A_34 = arith.constant 1 : i32
      scf.for %scan3A_38 = %scan3A_31 to %scan3A_33 step %scan3A_34  : i32 {
        %mul3A_39 = arith.constant 16 : i32
        %mul3A_40 = arith.muli %scan3A_38, %mul3A_39 : i32
        %add3A_41 = vector.broadcast %mul3A_40 : i32 to vector<16xi32>
        %add3A_42 = arith.addi %add3A_41, %iota3A : vector<16xi32>
        %mul3A_43 = arith.constant 3 : i32
        %mul3A_44 = vector.broadcast %mul3A_43 : i32 to vector<16xi32>
        %mul3A_45 = arith.muli %add3A_42, %mul3A_44 : vector<16xi32>
        %add3A_46 = arith.addi %mul3A_45, %broadcast_in_dim3A_5 : vector<16xi32>
        %add3A_47 = arith.addi %add3A_46, %broadcast_in_dim3A_5 : vector<16xi32>
        %gather3A = tpu.vector_load_idx %arg12[%add3A_42, %broadcast_in_dim3A_3] : memref<1600x8xf32, #tpu.memory_space<vmem>>[vector<16xi32>, vector<16xi32>], vector<16xf32>,
        %gather3A_48 = tpu.vector_load_idx %arg12[%add3A_42, %broadcast_in_dim3A_5] : memref<1600x8xf32, #tpu.memory_space<vmem>>[vector<16xi32>, vector<16xi32>], vector<16xf32>,
        %gather3A_49 = tpu.vector_load_idx %arg12[%add3A_42, %add3A_6] : memref<1600x8xf32, #tpu.memory_space<vmem>>[vector<16xi32>, vector<16xi32>], vector<16xf32>,
        %gather3A_50 = tpu.vector_load_idx %arg13[%add3A_42, %broadcast_in_dim3A_3] : memref<1600x8xf32, #tpu.memory_space<vmem>>[vector<16xi32>, vector<16xi32>], vector<16xf32>,
        %gather3A_51 = tpu.vector_load_idx %arg13[%add3A_42, %broadcast_in_dim3A_5] : memref<1600x8xf32, #tpu.memory_space<vmem>>[vector<16xi32>, vector<16xi32>], vector<16xf32>,
        %gather3A_52 = tpu.vector_load_idx %arg13[%add3A_42, %add3A_6] : memref<1600x8xf32, #tpu.memory_space<vmem>>[vector<16xi32>, vector<16xi32>], vector<16xf32>,
        %gather3A_53 = tpu.vector_load_idx %arg11[%mul3A_45] : memref<4800xf32, #tpu.memory_space<vmem>>[vector<16xi32>], vector<16xf32>,
        %gather3A_54 = tpu.vector_load_idx %arg11[%add3A_46] : memref<4800xf32, #tpu.memory_space<vmem>>[vector<16xi32>], vector<16xf32>,
        %gather3A_55 = tpu.vector_load_idx %arg11[%add3A_47] : memref<4800xf32, #tpu.memory_space<vmem>>[vector<16xi32>], vector<16xf32>,
        %sub3A = arith.subf %gather3A_50, %gather3A : vector<16xf32>
        %add3A_56 = arith.addf %sub3A, %gather3A_53 : vector<16xf32>
        %sub3A_57 = arith.subf %gather3A_51, %gather3A_48 : vector<16xf32>
        %add3A_58 = arith.addf %sub3A_57, %gather3A_54 : vector<16xf32>
        %sub3A_59 = arith.subf %gather3A_52, %gather3A_49 : vector<16xf32>
        %add3A_60 = arith.addf %sub3A_59, %gather3A_55 : vector<16xf32>
        tpu.vector_store_idx %arg14[%mul3A_45], %add3A_56 : memref<4800xf32, #tpu.memory_space<vmem>>[vector<16xi32>], vector<16xf32>,
        tpu.vector_store_idx %arg14[%add3A_46], %add3A_58 : memref<4800xf32, #tpu.memory_space<vmem>>[vector<16xi32>], vector<16xf32>,
        tpu.vector_store_idx %arg14[%add3A_47], %add3A_60 : memref<4800xf32, #tpu.memory_space<vmem>>[vector<16xi32>], vector<16xf32>,
        %mul3A_61 = arith.mulf %add3A_56, %add3A_56 : vector<16xf32>
        %mul3A_62 = arith.mulf %add3A_58, %add3A_58 : vector<16xf32>
        %add3A_63 = arith.addf %mul3A_61, %mul3A_62 : vector<16xf32>
        %mul3A_64 = arith.mulf %add3A_60, %add3A_60 : vector<16xf32>
        %add3A_65 = arith.addf %add3A_63, %mul3A_64 : vector<16xf32>
        %bitcast3A = vector.bitcast %add3A_65 : vector<16xf32> to vector<16xi32>
        %shift_right_arithmetic3A = arith.constant 1 : i32
        %shift_right_arithmetic3A_66 = vector.broadcast %shift_right_arithmetic3A : i32 to vector<16xi32>
        %shift_right_arithmetic3A_67 = arith.shrsi %bitcast3A, %shift_right_arithmetic3A_66 : vector<16xi32>
        %sub3A_68 = arith.constant 1597463007 : i32
        %sub3A_69 = vector.broadcast %sub3A_68 : i32 to vector<16xi32>
        %sub3A_70 = arith.subi %sub3A_69, %shift_right_arithmetic3A_67 : vector<16xi32>
        %bitcast3A_71 = vector.bitcast %sub3A_70 : vector<16xi32> to vector<16xf32>
        %mul3A_72 = arith.constant 5.000000e-01 : f32
        %mul3A_73 = vector.broadcast %mul3A_72 : f32 to vector<16xf32>
        %mul3A_74 = arith.mulf %add3A_65, %mul3A_73 : vector<16xf32>
        %mul3A_75 = arith.mulf %mul3A_74, %bitcast3A_71 : vector<16xf32>
        %mul3A_76 = arith.mulf %mul3A_75, %bitcast3A_71 : vector<16xf32>
        %sub3A_77 = arith.constant 1.500000e+00 : f32
        %sub3A_78 = vector.broadcast %sub3A_77 : f32 to vector<16xf32>
        %sub3A_79 = arith.subf %sub3A_78, %mul3A_76 : vector<16xf32>
        %mul3A_80 = arith.mulf %bitcast3A_71, %sub3A_79 : vector<16xf32>
        %mul3A_81 = arith.mulf %mul3A_74, %mul3A_80 : vector<16xf32>
        %mul3A_82 = arith.mulf %mul3A_81, %mul3A_80 : vector<16xf32>
        %sub3A_83 = arith.constant 1.500000e+00 : f32
        %sub3A_84 = vector.broadcast %sub3A_83 : f32 to vector<16xf32>
        %sub3A_85 = arith.subf %sub3A_84, %mul3A_82 : vector<16xf32>
        %mul3A_86 = arith.mulf %mul3A_80, %sub3A_85 : vector<16xf32>
        %mul3A_87 = arith.mulf %mul3A_74, %mul3A_86 : vector<16xf32>
        %mul3A_88 = arith.mulf %mul3A_87, %mul3A_86 : vector<16xf32>
        %sub3A_89 = arith.constant 1.500000e+00 : f32
        %sub3A_90 = vector.broadcast %sub3A_89 : f32 to vector<16xf32>
        %sub3A_91 = arith.subf %sub3A_90, %mul3A_88 : vector<16xf32>
        %mul3A_92 = arith.mulf %mul3A_86, %sub3A_91 : vector<16xf32>
        %mul3A_93 = arith.mulf %add3A_65, %mul3A_92 : vector<16xf32>
        %swap3A = arith.index_cast %mul3A_40 : i32 to index
        %swap3A_94 = tpu.vector_load %arg15[%swap3A] {strides = array<i32>} : memref<1600xf32, #tpu.memory_space<vmem>>, vector<16xf32>,
        tpu.vector_store %arg15[%swap3A], %mul3A_93 {strides = array<i32>} : memref<1600xf32, #tpu.memory_space<vmem>>, vector<16xf32>,
      }
      %scan3A_35 = arith.constant 100 : i32
      %mul3A_36 = arith.constant 3 : i32
      %mul3A_37 = arith.muli %mul3A_36, %add3A_17 : i32
      "tpu.region"() ({
        %run_scoped3A = tpu.sem_alloc : memref<!tpu.dma_semaphore, #tpu.memory_space<semaphore_mem>>
        %dma_start3A_38 = tpu.memref_slice %arg6[%mul3A_37] : memref<19200000xf32, #tpu.memory_space<hbm>> -> memref<4800xf32, #tpu.memory_space<hbm>>
        %dma_start3A_39 = tpu.memref_slice %arg6[%mul3A_37] : memref<19200000xf32, #tpu.memory_space<hbm>> -> memref<4800xf32, #tpu.memory_space<hbm>>
        tpu.enqueue_dma source(%arg14 : memref<4800xf32, #tpu.memory_space<vmem>>) target(%dma_start3A_39 : memref<4800xf32, #tpu.memory_space<hbm>>) target_semaphore(%run_scoped3A : memref<!tpu.dma_semaphore, #tpu.memory_space<semaphore_mem>>)
        %dma_wait3A_40 = tpu.memref_slice %arg6[%mul3A_37] : memref<19200000xf32, #tpu.memory_space<hbm>> -> memref<4800xf32, #tpu.memory_space<hbm>>
        %dma_wait3A_41 = tpu.memref_slice %arg6[%mul3A_37] : memref<19200000xf32, #tpu.memory_space<hbm>> -> memref<4800xf32, #tpu.memory_space<hbm>>
        tpu.wait_dma2 semaphore(%run_scoped3A : memref<!tpu.dma_semaphore, #tpu.memory_space<semaphore_mem>>) src(%arg14 : memref<4800xf32, #tpu.memory_space<vmem>>) dst(%dma_wait3A_41 : memref<4800xf32, #tpu.memory_space<hbm>>)
        tpu.yield
      }) : () -> ()
      "tpu.region"() ({
        %run_scoped3A = tpu.sem_alloc : memref<!tpu.dma_semaphore, #tpu.memory_space<semaphore_mem>>
        %dma_start3A_38 = tpu.memref_slice %arg7[%add3A_17] : memref<6400000xf32, #tpu.memory_space<hbm>> -> memref<1600xf32, #tpu.memory_space<hbm>>
        %dma_start3A_39 = tpu.memref_slice %arg7[%add3A_17] : memref<6400000xf32, #tpu.memory_space<hbm>> -> memref<1600xf32, #tpu.memory_space<hbm>>
        tpu.enqueue_dma source(%arg15 : memref<1600xf32, #tpu.memory_space<vmem>>) target(%dma_start3A_39 : memref<1600xf32, #tpu.memory_space<hbm>>) target_semaphore(%run_scoped3A : memref<!tpu.dma_semaphore, #tpu.memory_space<semaphore_mem>>)
        %dma_wait3A_40 = tpu.memref_slice %arg7[%add3A_17] : memref<6400000xf32, #tpu.memory_space<hbm>> -> memref<1600xf32, #tpu.memory_space<hbm>>
        %dma_wait3A_41 = tpu.memref_slice %arg7[%add3A_17] : memref<6400000xf32, #tpu.memory_space<hbm>> -> memref<1600xf32, #tpu.memory_space<hbm>>
        tpu.wait_dma2 semaphore(%run_scoped3A : memref<!tpu.dma_semaphore, #tpu.memory_space<semaphore_mem>>) src(%arg15 : memref<1600xf32, #tpu.memory_space<vmem>>) dst(%dma_wait3A_41 : memref<1600xf32, #tpu.memory_space<hbm>>)
        tpu.yield
      }) : () -> ()
    }
    %scan3A_13 = arith.constant 125 : i32
    return
  }
}

</mosaic_0001>

<sc_bundles>
// kernel: kernel.3.cloned.1.call-start
scs
__scs_entry_jumppad:
0x0: {  	(pc) =	sbr.rel $0x88, $3  }
0x1: {  	(tag) =	ssettag $0x0;
	lr =	simm.s32 $0x1  }
0x2: {  	[smem:$0x3F9D] =	sst lr;
	_ =	strace $0xD0000000  }
0x3: {  	_ = 	snop  }
0x4: {  	_ = 	snop  }
0x5: {  	_ = 	snop  }
0x6: {  	_ = 	snop  }
0x7: {  	_ = 	snop  }
__scs_overlays_trampoline_lowered:
0x8: {  	[smem:$0x3FAC] =	sst s0  }
0x9: {  	[smem:$0x3FAD] =	sst s1  }
0xa: {  	[smem:$0x3FAE] =	sst s2  }
0xb: {  	[smem:$0x3FAF] =	sst s3  }
0xc: {  	[smem:$0x3FB0] =	sst s4  }
0xd: {  	[smem:$0x3FB1] =	sst s5  }
0xe: {  	[smem:$0x3FB2] =	sst s6  }
0xf: {  	[smem:$0x3FB3] =	sst s7  }
0x10: {  	[smem:$0x3FB4] =	sst s8  }
0x11: {  	[smem:$0x3FB5] =	sst s9;
	s0 =	simm.s32 @!p0 $0x0  }
0x12: {  	s1 =	sld [smem:$0x3F9B];
	s0 =	simm.s32 @p0 $0x1  }
0x13: {  	[smem:$0x3FB6] =	sst s0;
	s0 =	simm.s32 @!p1 $0x0  }
0x14: {  	s2 =	sld [smem:$0x3F9A];
	s0 =	simm.s32 @p1 $0x1  }
0x15: {  	[smem:$0x3FB7] =	sst s0;
	s0 =	simm.s32 @!p2 $0x0  }
0x16: {  	s3 =	sld [smem:$0x3FDB];
	s0 =	simm.s32 @p2 $0x1  }
0x17: {  	s4 =	simm.s32 $0x1BF5;
	[smem:$0x3FB9] =	sst s0  }
0x18: {  	s0 =	sld [smem:$0x3F9C];
	_ =	swait.ge [sflag:s4], $0x0  }
0x19: {  	s7 =	sld [smem:$0x3F9D]  }
0x1a: {  	s8 =	sadd.s32 $0xFFFFE003, lr  }
0x1b: {  	s9 =	sadd.s32 $0xFFFFFEF7, lr;
	s5 =	simm.s32 $0xFFFFFFFF;
	p2 =	slt.u32 s8, $0xFFFFF086  }
0x1c: {  	p1 =	slt.u32 s9, $0xF7A;
	s5 =	simm.s32 @!p2 $0x0  }
0x1d: {  	s5 =	simm.s32 @p1 $0x1;
	p0 =	seq.s32 s7, s2  }
0x1e: {  	s7 =	smul.u32 @!p0 $0xF7A, s2;
	p2 =	seq.s32 @!p0 s5, $0x0  }
0x1f: {  	s9 =	smul.u32 $0xF7A, s1;
	s8 =	simm.s32 @!p0 $0x1BF5;
	p2 =	por !p2, p0  }
0x20: {  	[sflag:s8] =	ssyncset.s32 @!p0 $0xFFFFF086;
	s6 =	sadd.s32 @!p0 s3, s7;
	s7 =	simm.s32 @!p0 $0x108  }
0x21: {  	s3 =	sadd.s32 s3, s9;
	s6 =	sadd.s32 @!p0 $0x88, s6;
	s7 =	simm.s32 @p2 $0x1082  }
0x22: {  	[simem:s7], [sflag:s8] =	dma.local @!p0 [hbm:s6], $0xF7A  }
0x23: {  	s9 =	sor.u32 $0xD0000000, s2;
	s6 =	simm.s32 $0x108;
	_ =	swait.ge @!p0 [sflag:s8], $0x0  }
0x24: {  	s3 =	sadd.s32 $0x88, s3;
	s6 =	simm.s32 @!p1 $0x1082;
	[sflag:s4] =	ssyncset.s32 $0xFFFFF086  }
0x25: {  	[simem:s6], [sflag:s4] =	dma.local [hbm:s3], $0xF7A  }
0x26: {  	[smem:$0x3F9D] =	sst s1;
	(tag) =	ssettag s2;
	_ =	strace s9  }
0x27: {  	s1 =	sld [smem:$0x3FAD]  }
0x28: {  	s2 =	sld [smem:$0x3FAE]  }
0x29: {  	s4 =	sld [smem:$0x3FB0]  }
0x2a: {  	p0 =	seq.s32 s5, $0x0;
	s5 =	sld [smem:$0x3FB1]  }
0x2b: {  	s6 =	sld [smem:$0x3FB2]  }
0x2c: {  	s7 =	sld [smem:$0x3FB3]  }
0x2d: {  	s3 =	simm.s32 $0x108;
	s8 =	sld [smem:$0x3FB4]  }
0x2e: {  	s3 =	simm.s32 @!p0 $0x1082;
	s9 =	sld [smem:$0x3FB5]  }
0x2f: {  	lr =	sadd.s32 s0, s3;
	s0 =	sld [smem:$0x3FAC]  }
0x30: {  	s3 =	sld [smem:$0x3FAF]  }
0x31: {  	[smem:$0x3FB8] =	sst s10  }
0x32: {  	s10 =	sld [smem:$0x3FB6];
	_ =	sdelay $0x3  }
0x33: {  	p0 =	seq.s32 s10, $0x1;
	s10 =	sld [smem:$0x3FB8];
	_ =	sdelay $0x3  }
0x34: {  	[smem:$0x3FB8] =	sst s10  }
0x35: {  	s10 =	sld [smem:$0x3FB7];
	_ =	sdelay $0x3  }
0x36: {  	p1 =	seq.s32 s10, $0x1;
	s10 =	sld [smem:$0x3FB8];
	_ =	sdelay $0x3  }
0x37: {  	[smem:$0x3FB8] =	sst s10  }
0x38: {  	s10 =	sld [smem:$0x3FB9]  }
0x39: {  	_ = 	snop;
	(pc) =	sbr.ind lr, $3  }
0x3a: {  	_ = 	snop  }
0x3b: {  	_ = 	snop  }
0x3c: {  	p2 =	seq.s32 s10, $0x1;
	s10 =	sld [smem:$0x3FB8]  }
0x3d: {  	_ =	shalt  }
0x3e: {  	_ =	shalt  }
0x3f: {  	_ =	shalt  }
0x40: {  	_ =	shalt  }
0x41: {  	_ =	shalt  }
0x42: {  	_ =	shalt  }
0x43: {  	_ =	shalt  }
0x44: {  	_ =	shalt  }
0x45: {  	_ =	shalt  }
0x46: {  	_ =	shalt  }
0x47: {  	_ =	shalt  }
0x48: {  	_ =	shalt  }
0x49: {  	_ =	shalt  }
0x4a: {  	_ =	shalt  }
0x4b: {  	_ =	shalt  }
0x4c: {  	_ =	shalt  }
0x4d: {  	_ =	shalt  }
0x4e: {  	_ =	shalt  }
0x4f: {  	_ =	shalt  }
0x50: {  	_ =	shalt  }
0x51: {  	_ =	shalt  }
0x52: {  	_ =	shalt  }
0x53: {  	_ =	shalt  }
0x54: {  	_ =	shalt  }
0x55: {  	_ =	shalt  }
0x56: {  	_ =	shalt  }
0x57: {  	_ =	shalt  }
0x58: {  	_ =	shalt  }
0x59: {  	_ =	shalt  }
0x5a: {  	_ =	shalt  }
0x5b: {  	_ =	shalt  }
0x5c: {  	_ =	shalt  }
0x5d: {  	_ =	shalt  }
0x5e: {  	_ =	shalt  }
0x5f: {  	_ =	shalt  }
0x60: {  	_ =	shalt  }
0x61: {  	_ =	shalt  }
0x62: {  	_ =	shalt  }
0x63: {  	_ =	shalt  }
0x64: {  	_ =	shalt  }
0x65: {  	_ =	shalt  }
0x66: {  	_ =	shalt  }
0x67: {  	_ =	shalt  }
0x68: {  	_ =	shalt  }
0x69: {  	_ =	shalt  }
0x6a: {  	_ =	shalt  }
0x6b: {  	_ =	shalt  }
0x6c: {  	_ =	shalt  }
0x6d: {  	_ =	shalt  }
0x6e: {  	_ =	shalt  }
0x6f: {  	_ =	shalt  }
0x70: {  	_ =	shalt  }
0x71: {  	_ =	shalt  }
0x72: {  	_ =	shalt  }
0x73: {  	_ =	shalt  }
0x74: {  	_ =	shalt  }
0x75: {  	_ =	shalt  }
0x76: {  	_ =	shalt  }
0x77: {  	_ =	shalt  }
0x78: {  	_ =	shalt  }
0x79: {  	_ =	shalt  }
0x7a: {  	_ =	shalt  }
0x7b: {  	_ =	shalt  }
0x7c: {  	_ =	shalt  }
0x7d: {  	_ =	shalt  }
0x7e: {  	_ =	shalt  }
0x7f: {  	_ =	shalt  }
0x80: {  	_ =	shalt  }
0x81: {  	_ =	shalt  }
0x82: {  	_ =	shalt  }
0x83: {  	_ =	shalt  }
0x84: {  	_ =	shalt  }
0x85: {  	_ =	shalt  }
0x86: {  	_ =	shalt  }
0x87: {  	_ =	shalt  }
.Lfunc_end0:
.L_simem_size_0:
called_computation.1_lowered:
.L_overlay_start_0:
0x88: {  	s2 =	sld [smem:$0x3FD9]  }
0x89: {  	s3 =	sld [smem:$0x3FFE];
	_ =	sdelay $0x1  }
0x8a: {  	s1 =	srdreg.scid  }
0x8b: {  	s0 =	sand.u32 $0x1, s1  }
0x8c: {  	s14 =	sshll.u32 s0, $0xA;
	s2 =	sadd.s32 s3, s2  }
0x8d: {  	s2 =	sadd.s32 s2, s14  }
0x8e: {  	[smem:$0x3FC4] =	sst s2  }
0x8f: {  	_ = 	snop  }
0x90: {  	s2 =	sld [smem:$0x3FD0];
	_ =	sdelay $0x1  }
0x91: {  	s15 =	sld [smem:$0x3FC8]  }
0x92: {  	s5 =	simm.s32 $0xA;
	s6 =	simm.s32 $0x10;
	s4 =	sld [smem:$0x3FC7]  }
0x93: {  	[smem:s6], [sflag:s5] =	dma.local [hbm:s2], $0x1  }
0x94: {  	_ =	swait.eq [sflag:s5], $0x1  }
0x95: {  	[sflag:s5] =	ssyncset.done $0x0  }
0x96: {  	s16 =	sld [smem:$0x10];
	[sflag:s5] =	ssyncadd.s32 $0xFFFFFFFF  }
0x97: {  	s17 =	sld [smem:$0x11];
	(tm) =	ssettm $0x1  }
0x98: {  	s18 =	sld [smem:$0x3FFB];
	_ =	sdelay $0x3  }
0x99: {  	_ =	strace s18  }
0x9a: {  	s6 =	sld [smem:$0x3FFC];
	_ =	sdelay $0x3  }
0x9b: {  	_ =	strace s6  }
0x9c: {  	s6 =	sld [smem:$0x3FFD];
	_ =	sdelay $0x3  }
0x9d: {  	_ =	strace s6  }
0x9e: {  	_ =	strace $0x8FFFFFFF  }
0x9f: {  	s19 =	sld [smem:$0x3FDB];
	_ =	sdelay $0x1  }
0xa0: {  	s7 =	simm.s32 $_scs_section_size  }
0xa1: {  	s8 =	simm.s32 $_size__tile_overlayer_lowered;
	s9 =	simm.s32 $_tile_overlayer_lowered  }
0xa2: {  	s22 =	simm.s32 $0x1BFF;
	s21 =	sshll.u32 s9, $0x1;
	s6 =	sadd.s32 s7, s19  }
0xa3: {  	s10 =	simm.s32 $0x0;
	s20 =	sshll.u32 s8, $0x1;
	s8 =	sadd.s32 s21, s6  }
0xa4: {  	[timem:s10], [sflag:s22] =	dma.local [hbm:s8], s20  }
0xa5: {  	_ =	swait.ge [sflag:s22], s20  }
0xa6: {  	s7 =	ssub.s32 $0x0, s20;
	[sflag:s22] =	ssyncset.done $0x0  }
0xa7: {  	[sflag:s22] =	ssyncadd.s32 s7;
	_ =	sdelay $0x1  }
0xa8: {  	s23 =	simm.s32 $0x1B8B  }
0xa9: {  	_ =	swait.ge [sflag:s23], $0x1  }
0xaa: {  	[sflag:s23] =	ssyncset.done $0x0  }
0xab: {  	s25 =	simm.s32 $0x1B8E;
	s24 =	sld [smem:$0x3FFE];
	[sflag:s23] =	ssyncadd.s32 $0xFFFFFFFF  }
0xac: {  	s26 =	simm.s32 $execute0_lowered;
	[smem:$0x3FD2] =	sst s25  }
0xad: {  	s8 =	sshll.u32 s26, $0x1;
	_ =	strace $0x80000046;
	[dreg:$0x1] =	wrdreg $0xFFFFFFFF  }
0xae: {  	s28 =	simm.s32 $_size_execute0_lowered;
	s6 =	sadd.s32 s6, s8;
	[dreg:$0x0] =	wrdreg $0x0  }
0xaf: {  	s8 =	sshll.u32 s28, $0x1;
	[dreg:$0x2] =	wrdreg s6  }
0xb0: {  	[dreg:$0x3] =	wrdreg s8  }
0xb1: {  	[dreg:$0x4] =	wrdreg $0xC0  }
0xb2: {  	_ =	task [dreg:s10], $0x5FFFF  }
0xb3: {  	[dreg:$0x1] =	wrdreg $0xFFFFFFFF  }
0xb4: {  	[dreg:$0x0] =	wrdreg $0x60  }
0xb5: {  	[dreg:$0x2] =	wrdreg s24  }
0xb6: {  	[dreg:$0x3] =	wrdreg s15  }
0xb7: {  	[dreg:$0x4] =	wrdreg s4  }
0xb8: {  	[dreg:$0x5] =	wrdreg s16  }
0xb9: {  	[dreg:$0x6] =	wrdreg s17  }
0xba: {  	[dreg:$0x7] =	wrdreg $0x0  }
0xbb: {  	[dreg:$0x8] =	wrdreg $0x9  }
0xbc: {  	_ =	task.clear_ibuf [dreg:s10], $0x9FFFF;
	_ =	strace $0x90000046  }
0xbd: {  	s29 =	simm.s32 $0x9;
	_ =	strace $0x80000048  }
0xbe: {  	_ =	swait.ge [sflag:s29], $0x1  }
0xbf: {  	[sflag:s29] =	ssyncadd.s32 $0xFFFFFFFF  }
0xc0: {  	_ =	strace $0x90000048  }
0xc1: {  	_ =	sfence  }
0xc2: {  	s30 =	sld [smem:$0x0];
	_ =	sdelay $0x2  }
0xc3: {  	s31 =	sshll.u32 s1, $0xD;
	s1 =	sshrl.u32 s1, $0x2  }
0xc4: {  	s3 =	sand.u32 $0x4000, s31;
	s1 =	sadd.s32 s1, s30  }
0xc5: {  	s0 =	sor.u32 s3, s0;
	s1 =	sshll.u32 s1, $0x11  }
0xc6: {  	s0 =	sor.u32 s1, s0  }
0xc7: {  	s0 =	sadd.s32 $0x8F2B, s0  }
0xc8: {  	[sflag:s0] =	ssyncadd.remote.s32 $0x1  }
0xc9: {  	_ =	sfence.sel $0xFFFF  }
0xca: {  	[dreg:$0x0] =	wrdreg $0xFFFFFFFF;
	(pc) =	sbr.abs _section_cstart, $3  }
0xcb: {  	[dreg:$0x1] =	wrdreg $0xFFFFFFFF  }
0xcc: {  	_ =	task.clear_ibuf [dreg:s10], $0x2FFFF;
	_ =	strace $0x9FFFFFFF  }
0xcd: {  	(tm) =	ssettm $0x7FFFFFFF  }
tec
execute0_lowered:
.L_overlay_start_1:
0x0: {  	(tag) =	ssettag $0x1  }
0x1: {  	s8 =	rddreg [dreg:$0x0]  }
0x2: {  	s1 =	rddreg [dreg:$0x1]  }
0x3: {  	s2 =	rddreg [dreg:$0x2]  }
0x4: {  	s3 =	rddreg [dreg:$0x3]  }
0x5: {  	s4 =	rddreg [dreg:$0x4]  }
0x6: {  	s5 =	rddreg [dreg:$0x5]  }
0x7: {  	s0 =	rddreg [dreg:$0x6];
	s6 =	simm.s32 $0x0  }
0x8: {  	s7 =	srdreg.scid;
	s11 =	stileid.u32;
	s14 =	simm.s32 $0xC990  }
0x9: {  	s15 =	simm.s32 $0xCFD0;
	s16 =	simm.s32 $0x640;
	s17 =	simm.s32 $0xE290  }
0xa: {  	s18 =	simm.s32 $0x11490;
	s19 =	simm.s32 $0x1;
	s20 =	simm.s32 $0x14690  }
0xb: {  	s21 =	simm.s32 $0x15950;
	s22 =	simm.s32 $0x0;
	[smem:$0x7FF] =	sst s6  }
0xc: {  	s9 =	sand.u32 $0x1, s7;
	s7 =	sadd.s32 $0x187200, s8;
	s13 =	sshll.u32 s11, $0x1  }
0xd: {  	s8 =	sadd.s32 $0x19FA00, s8;
	p0 =	sne.s32 s11, $0x0;
	s10 =	ssub.s32 $0x2, s9  }
0xe: {  	_ =	strace $0x80000047;
	s9 =	sor.u32 s9, s13;
	s12 =	sshrl.u32 s10, $0x1  }
0xf: {  	s11 =	sshrl.u32 @!p0 s5, $0x3;
	s13 =	simm.s32 $0x2;
	s10 =	ssub.s32 s10, s12  }
0x10: {  	v0 =	vlaneseq.u32;
	s9 =	smul.u32 $0x30D40, s9;
	s12 =	simm.s32 $0xC350;
	s10 =	smax.u32 s10, $0x1  }
.LBB2_1:
0x11: {  	s23 =	simm.s32 @!p0 $0x1C02  }
0x12: {  	[spmem:s11], [sflag:s23] =	dma.local @!p0 [hbm:s7], $0x186A0  }
0x13: {  	s23 =	simm.s32 @!p0 $0x2  }
0x14: {  	_ =	swait.ge @!p0 [sflag:s23], $0x186A0  }
0x15: {  	[sflag:s23] =	ssyncset.done @!p0 $0x0  }
0x16: {  	[sflag:s23] =	ssyncadd.s32 @!p0 $0xFFFE7960  }
0x17: {  	s23 =	simm.s32 $0x0;
	[bflag:$0x0] =	sbarrier.arrive $0xFFFF  }
.LBB2_2:
0x18: {  	s24 =	smul.u32 $0x640, s23;
	_ =	sdelay $0x1  }
0x19: {  	s25 =	sadd.s32 s9, s24  }
0x1a: {  	s24 =	sshrl.u32 s25, $0x3  }
0x1b: {  	s28 =	simm.s32 $0x0;
	s26 =	sadd.s32 s1, s24  }
0x1c: {  	[tilespmem:s12], [sflag:$0x2] =	stream.linear.gather [hbm4b:s26+s28], $0x640, $0x38;
	[tilespmem:$0x15F90] =	vst v63  }
0x1d: {  	_ =	swait.ge [sflag:s13], $0x640  }
0x1e: {  	[sflag:s13] =	ssyncset.done $0x0  }
0x1f: {  	s25 =	smul.u32 $0x3, s25;
	s30 =	sadd.s32 s2, s24;
	[sflag:s13] =	ssyncadd.s32 $0xFFFFF9C0  }
0x20: {  	[tilespmem:s14], [sflag:$0x2] =	stream.linear.gather [hbm4b:s30+s28], $0x640, $0x38;
	[tilespmem:$0x15F90] =	vst v63  }
0x21: {  	_ =	swait.ge [sflag:s13], $0x640  }
0x22: {  	s25 =	sshrl.u32 s25, $0x3;
	[sflag:s13] =	ssyncset.done $0x0  }
0x23: {  	s31 =	sadd.s32 s3, s25;
	[sflag:s13] =	ssyncadd.s32 $0xFFFFF9C0  }
0x24: {  	[tilespmem:s15], [sflag:$0x2] =	stream.linear.gather [hbm4b:s31+s28], $0x12C0, $0x38;
	[tilespmem:$0x15F90] =	vst v63  }
0x25: {  	_ =	swait.ge [sflag:s13], $0x12C0  }
0x26: {  	[sflag:s13] =	ssyncset.done $0x0  }
0x27: {  	[sflag:s13] =	ssyncadd.s32 $0xFFFFED40  }
0x28: {  	[tilespmem:s17], [sflag:$0x1] =	stream.indirect.gather [spmem:s5], $0x8, s12, s16, $0xb8;
	[tilespmem:$0x15F90] =	vst v63  }
0x29: {  	_ = 	snop  }
0x2a: {  	[tilespmem:s18], [sflag:$0x1] =	stream.indirect.gather [spmem:s5], $0x8, s14, s16, $0xb8;
	[tilespmem:$0x15F90] =	vst v63  }
0x2b: {  	v1 =	vor.u32 s28, v0;
	_ =	swait.ge [sflag:s19], $0x3200  }
0x2c: {  	v2 =	vshll.u32 v1, $0x3;
	[sflag:s19] =	ssyncset.done $0x0  }
0x2d: {  	v3 =	vor.u32 $0x2, v2;
	[sflag:s19] =	ssyncadd.s32 $0xFFFFCE00  }
0x2e: {  	_ =	swait.ge [sflag:s19], $0x3200  }
0x2f: {  	v4 =	vmul.u32 $0x3, v1;
	v1 =	vor.u32 $0x1, v2;
	[sflag:s19] =	ssyncset.done $0x0  }
0x30: {  	[sflag:s19] =	ssyncadd.s32 $0xFFFFCE00  }
0x31: {  	v5 =	vld.idx.msk [tilespmem:v2+s17+$0x0], $0xffff  }
0x32: {  	v6 =	vld.idx.msk [tilespmem:v3+s17+$0x0], $0xffff  }
0x33: {  	v7 =	vadd.s32 $0x1, v4;
	v2 =	vld.idx.msk [tilespmem:v2+s18+$0x0], $0xffff  }
0x34: {  	v8 =	vld.idx.msk [tilespmem:v1+s17+$0x0], $0xffff  }
0x35: {  	v9 =	vadd.s32 $0x2, v4;
	v10 =	vld.idx.msk [tilespmem:v4+s15+$0x0], $0xffff  }
0x36: {  	v1 =	vld.idx.msk [tilespmem:v1+s18+$0x0], $0xffff  }
0x37: {  	v3 =	vld.idx.msk [tilespmem:v3+s18+$0x0], $0xffff  }
0x38: {  	v11 =	vld.idx.msk [tilespmem:v7+s15+$0x0], $0xffff;
	_ =	sdelay $0x1  }
0x39: {  	v12 =	vld.idx.msk [tilespmem:v9+s15+$0x0], $0xffff;
	v2 =	vsub.f32 v2, v5  }
0x3a: {  	v1 =	vsub.f32 v1, v8  }
0x3b: {  	v5 =	vadd.f32 v10, v2  }
0x3c: {  	v2 =	vsub.f32 v3, v6;
	v3 =	vadd.f32 v11, v1;
	_ =	sdelay $0x1  }
0x3d: {  	v6 =	vadd.f32 v12, v2;
	v1 =	vmul.f32 v5, v5;
	v2 =	vmul.f32 v3, v3;
	_ =	sdelay $0x1  }
0x3e: {  	v1 =	vadd.f32 v2, v1;
	v2 =	vmul.f32 v6, v6;
	_ =	sdelay $0x1  }
0x3f: {  	v1 =	vadd.f32 v2, v1;
	_ =	sdelay $0x1  }
0x40: {  	v2 =	vshra.s32 v1, $0x1;
	v62 =	vmul.f32 $5.000000000e-01, v1  }
0x41: {  	v2 =	vsub.s32 $0x5F3759DF, v2  }
0x42: {  	v63 =	vmul.f32 v2, v62;
	_ =	sdelay $0x1  }
0x43: {  	v10 =	vmul.f32 v2, v63;
	_ =	sdelay $0x1  }
0x44: {  	v10 =	vsub.f32 $1.500000000e+00, v10;
	_ =	sdelay $0x1  }
0x45: {  	v2 =	vmul.f32 v2, v10;
	_ =	sdelay $0x1  }
0x46: {  	v10 =	vmul.f32 v2, v62;
	_ =	sdelay $0x1  }
0x47: {  	v10 =	vmul.f32 v10, v2;
	_ =	sdelay $0x1  }
0x48: {  	v10 =	vsub.f32 $1.500000000e+00, v10;
	_ =	sdelay $0x1  }
0x49: {  	v2 =	vmul.f32 v10, v2;
	_ =	sdelay $0x1  }
0x4a: {  	v8 =	vmul.f32 v2, v62;
	_ =	sdelay $0x1  }
0x4b: {  	[tilespmem:v4+s20+$0x0] =	vst.idx.msk $0xffff, v5;
	v4 =	vmul.f32 v8, v2  }
0x4c: {  	s28 =	simm.s32 $0x10;
	[tilespmem:v7+s20+$0x0] =	vst.idx.msk $0xffff, v3  }
0x4d: {  	s29 =	simm.s32 $0x20;
	s26 =	simm.s32 $0x15950;
	v3 =	vor.u32 s28, v0;
	s28 =	simm.s32 $0x15950;
	[tilespmem:v9+s20+$0x0] =	vst.idx.msk $0xffff, v6;
	v4 =	vsub.f32 $1.500000000e+00, v4  }
.LBB2_3:
0x4e: {  	p1 =	sne.s32 s29, $0x630  }
0x4f: {  	v5 =	vshll.u32 v3, $0x3;
	v2 =	vmul.f32 v4, v2;
	s26 =	sadd.s32 $0x10, s26;
	s30 =	smov.u32 s29;
	s29 =	sadd.s32 $0x10, s29  }
0x50: {  	v3 =	vmul.u32 $0x3, v3;
	v4 =	vor.u32 $0x1, v5;
	v6 =	vor.u32 $0x2, v5  }
0x51: {  	v1 =	vmul.f32 v2, v1  }
0x52: {  	v2 =	vadd.s32 $0x1, v3;
	v7 =	vadd.s32 $0x2, v3  }
0x53: {  	[tilespmem:s28+$0x0] =	vst v1;
	s28 =	smov.u32 s26  }
0x54: {  	v1 =	vld.idx.msk [tilespmem:v5+s17+$0x0], $0xffff  }
0x55: {  	v8 =	vld.idx.msk [tilespmem:v6+s17+$0x0], $0xffff  }
0x56: {  	v5 =	vld.idx.msk [tilespmem:v5+s18+$0x0], $0xffff  }
0x57: {  	v9 =	vld.idx.msk [tilespmem:v4+s17+$0x0], $0xffff  }
0x58: {  	v10 =	vld.idx.msk [tilespmem:v3+s15+$0x0], $0xffff  }
0x59: {  	v4 =	vld.idx.msk [tilespmem:v4+s18+$0x0], $0xffff  }
0x5a: {  	v6 =	vld.idx.msk [tilespmem:v6+s18+$0x0], $0xffff  }
0x5b: {  	v11 =	vld.idx.msk [tilespmem:v2+s15+$0x0], $0xffff  }
0x5c: {  	v1 =	vsub.f32 v5, v1;
	v12 =	vld.idx.msk [tilespmem:v7+s15+$0x0], $0xffff;
	_ =	sdelay $0x1  }
0x5d: {  	v1 =	vadd.f32 v10, v1  }
0x5e: {  	v4 =	vsub.f32 v4, v9  }
0x5f: {  	v5 =	vsub.f32 v6, v8;
	[tilespmem:v3+s20+$0x0] =	vst.idx.msk $0xffff, v1  }
0x60: {  	v3 =	vadd.f32 v11, v4  }
0x61: {  	v4 =	vadd.f32 v12, v5  }
0x62: {  	v1 =	vmul.f32 v1, v1;
	[tilespmem:v2+s20+$0x0] =	vst.idx.msk $0xffff, v3;
	v2 =	vmul.f32 v3, v3  }
0x63: {  	[tilespmem:v7+s20+$0x0] =	vst.idx.msk $0xffff, v4  }
0x64: {  	v1 =	vadd.f32 v2, v1;
	v2 =	vmul.f32 v4, v4;
	_ =	sdelay $0x1  }
0x65: {  	v1 =	vadd.f32 v2, v1;
	_ =	sdelay $0x1  }
0x66: {  	v2 =	vshra.s32 v1, $0x1;
	v3 =	vmul.f32 $5.000000000e-01, v1  }
0x67: {  	v2 =	vsub.s32 $0x5F3759DF, v2  }
0x68: {  	v4 =	vmul.f32 v2, v3;
	_ =	sdelay $0x1  }
0x69: {  	v4 =	vmul.f32 v2, v4;
	_ =	sdelay $0x1  }
0x6a: {  	v4 =	vsub.f32 $1.500000000e+00, v4;
	_ =	sdelay $0x1  }
0x6b: {  	v2 =	vmul.f32 v2, v4;
	_ =	sdelay $0x1  }
0x6c: {  	v4 =	vmul.f32 v2, v3;
	_ =	sdelay $0x1  }
0x6d: {  	v4 =	vmul.f32 v4, v2;
	_ =	sdelay $0x1  }
0x6e: {  	v4 =	vsub.f32 $1.500000000e+00, v4;
	_ =	sdelay $0x1  }
0x6f: {  	v2 =	vmul.f32 v4, v2;
	_ =	sdelay $0x1  }
0x70: {  	v3 =	vmul.f32 v2, v3  }
.Ltmp0:
0x71: {  	(pc) =	sbr.rel @p1 .LBB2_3-.Ltmp0, $3  }
0x72: {  	v3 =	vmul.f32 v3, v2;
	_ =	sdelay $0x1  }
0x73: {  	v4 =	vsub.f32 $1.500000000e+00, v3  }
0x74: {  	v3 =	vor.u32 s30, v0  }
0x75: {  	v5 =	vshll.u32 v3, $0x3;
	v2 =	vmul.f32 v4, v2;
	_ =	sdelay $0x1  }
0x76: {  	v58 =	vor.u32 $0x2, v5;
	v1 =	vmul.f32 v2, v1;
	_ =	sdelay $0x1  }
0x77: {  	v2 =	vmul.u32 $0x3, v3;
	v3 =	vor.u32 $0x1, v5;
	[tilespmem:s28+$0x0] =	vst v1  }
0x78: {  	v1 =	vld.idx.msk [tilespmem:v5+s17+$0x0], $0xffff  }
0x79: {  	v5 =	vld.idx.msk [tilespmem:v5+s18+$0x0], $0xffff  }
0x7a: {  	v7 =	vadd.s32 $0x1, v2;
	v6 =	vld.idx.msk [tilespmem:v58+s17+$0x0], $0xffff  }
0x7b: {  	v4 =	vld.idx.msk [tilespmem:v58+s18+$0x0], $0xffff  }
0x7c: {  	v9 =	vadd.s32 $0x2, v2;
	v8 =	vld.idx.msk [tilespmem:v3+s17+$0x0], $0xffff  }
0x7d: {  	v3 =	vld.idx.msk [tilespmem:v3+s18+$0x0], $0xffff  }
0x7e: {  	v10 =	vld.idx.msk [tilespmem:v2+s15+$0x0], $0xffff  }
0x7f: {  	v11 =	vld.idx.msk [tilespmem:v7+s15+$0x0], $0xffff;
	_ =	sdelay $0x1  }
0x80: {  	v12 =	vld.idx.msk [tilespmem:v9+s15+$0x0], $0xffff  }
0x81: {  	v1 =	vsub.f32 v5, v1;
	v3 =	vsub.f32 v3, v8  }
0x82: {  	v4 =	vsub.f32 v4, v6  }
0x83: {  	v1 =	vadd.f32 v10, v1;
	v3 =	vadd.f32 v11, v3;
	_ =	sdelay $0x1  }
0x84: {  	v4 =	vadd.f32 v12, v4;
	v59 =	vmul.f32 v1, v1;
	v60 =	vmul.f32 v3, v3;
	_ =	sdelay $0x1  }
0x85: {  	v61 =	vmul.f32 v4, v4;
	v5 =	vadd.f32 v60, v59;
	_ =	sdelay $0x1  }
0x86: {  	v5 =	vadd.f32 v61, v5;
	_ =	sdelay $0x1  }
0x87: {  	v6 =	vshra.s32 v5, $0x1;
	v62 =	vmul.f32 $5.000000000e-01, v5  }
0x88: {  	v6 =	vsub.s32 $0x5F3759DF, v6  }
0x89: {  	v63 =	vmul.f32 v6, v62;
	_ =	sdelay $0x1  }
0x8a: {  	v10 =	vmul.f32 v6, v63;
	_ =	sdelay $0x1  }
0x8b: {  	v10 =	vsub.f32 $1.500000000e+00, v10;
	_ =	sdelay $0x1  }
0x8c: {  	v6 =	vmul.f32 v6, v10;
	_ =	sdelay $0x1  }
0x8d: {  	v10 =	vmul.f32 v6, v62;
	_ =	sdelay $0x1  }
0x8e: {  	v10 =	vmul.f32 v10, v6;
	_ =	sdelay $0x1  }
0x8f: {  	v10 =	vsub.f32 $1.500000000e+00, v10;
	_ =	sdelay $0x1  }
0x90: {  	v6 =	vmul.f32 v10, v6;
	_ =	sdelay $0x1  }
0x91: {  	v8 =	vmul.f32 v6, v62;
	_ =	sdelay $0x1  }
0x92: {  	v8 =	vmul.f32 v8, v6;
	_ =	sdelay $0x1  }
0x93: {  	v8 =	vsub.f32 $1.500000000e+00, v8;
	_ =	sdelay $0x1  }
0x94: {  	v6 =	vmul.f32 v8, v6  }
0x95: {  	[tilespmem:v2+s20+$0x0] =	vst.idx.msk $0xffff, v1  }
0x96: {  	[tilespmem:v7+s20+$0x0] =	vst.idx.msk $0xffff, v3;
	v1 =	vmul.f32 v6, v5  }
0x97: {  	s26 =	sadd.s32 $0x10, s26;
	[tilespmem:v9+s20+$0x0] =	vst.idx.msk $0xffff, v4  }
0x98: {  	s25 =	sadd.s32 s8, s25;
	[tilespmem:s26+$0x0] =	vst v1  }
0x99: {  	[hbm4b:s25+s6] =	stream.linear.scatter [tilespmem:s20], [sflag:$0x2], $0x12C0, $0x38;
	[tilespmem:$0x15F90] =	vst v63  }
0x9a: {  	s23 =	sadd.s32 $0x1, s23;
	_ =	swait.ge [sflag:s13], $0x12C0  }
0x9b: {  	p1 =	sne.s32 s23, $0x7D;
	[sflag:s13] =	ssyncset.done $0x0  }
.Ltmp1:
0x9c: {  	s24 =	sadd.s32 s4, s24;
	[sflag:s13] =	ssyncadd.s32 $0xFFFFED40;
	(pc) =	sbr.rel @p1 .LBB2_2-.Ltmp1, $4  }
0x9d: {  	[hbm4b:s24+s6] =	stream.linear.scatter [tilespmem:s21], [sflag:$0x2], $0x640, $0x38;
	[tilespmem:$0x15F90] =	vst v63  }
0x9e: {  	_ =	swait.ge [sflag:s13], $0x640  }
0x9f: {  	[sflag:s13] =	ssyncset.done $0x0  }
0xa0: {  	[sflag:s13] =	ssyncadd.s32 $0xFFFFF9C0  }
0xa1: {  	s22 =	sadd.s32 $0x1, s22  }
0xa2: {  	p1 =	sne.s32 s22, s10  }
.Ltmp2:
0xa3: {  	_ = 	snop;
	(pc) =	sbr.rel @p1 .LBB2_1-.Ltmp2, $1  }
0xa4: {  	_ =	sdelay $0x3  }
0xa5: {  	_ =	sfence.sel $0x180000  }
0xa6: {  	[bflag:$0x0] =	sbarrier.arrive $0xFFFF  }
0xa7: {  	_ =	strace $0x90000047  }
0xa8: {  	s0 =	sadd.s32 @!p0 $0x100000, s0;
	[bflag:$0x2] =	sbarrier.arrive $0xFFFF  }
0xa9: {  	[sflag:s0] =	ssyncadd.tile.s32 @!p0 $0x1;
	_ =	shalt  }
.Lfunc_end2:
_tile_overlayer_lowered:
.L_overlay_start_2:
0xaa: {  	(tag) =	ssettag $0x2  }
0xab: {  	s0 =	rddreg [dreg:$0x0];
	s2 =	stileid.u32  }
0xac: {  	s1 =	rddreg [dreg:$0x1];
	p0 =	sne.s32 s2, $0x0  }
0xad: {  	s3 =	rddreg [dreg:$0x2];
	[bflag:$0x3] =	sbarrier.arrive $0xFFFF;
	s2 =	simm.s32 @!p0 $0x1C02  }
0xae: {  	[timem:s3], [sflag:s2] =	dma.local @!p0 [hbm:s0], s1  }
0xaf: {  	s0 =	simm.s32 @!p0 $0x2  }
0xb0: {  	_ =	swait.ge @!p0 [sflag:s0], s1  }
0xb1: {  	s1 =	ssub.s32 @!p0 $0x0, s1;
	[sflag:s0] =	ssyncset.done @!p0 $0x0  }
0xb2: {  	[sflag:s0] =	ssyncadd.s32 @!p0 s1  }
0xb3: {  	[bflag:$0x3] =	sbarrier.arrive $0xFFFF  }
0xb4: {  	_ =	shalt  }

// kernel: sparse-core-data-format-call.cloned.1.call-start
scs
called_computation_lowered:
.L_overlay_start_0:
0x0: {  	s2 =	sld [smem:$0x3FD9]  }
0x1: {  	s3 =	sld [smem:$0x3FFE];
	_ =	sdelay $0x1  }
0x2: {  	s1 =	srdreg.scid  }
0x3: {  	s0 =	sand.u32 $0x1, s1  }
0x4: {  	s15 =	sshll.u32 s0, $0xA;
	s2 =	sadd.s32 s3, s2  }
0x5: {  	s2 =	sadd.s32 s2, s15  }
0x6: {  	[smem:$0x3FC4] =	sst s2  }
0x7: {  	_ = 	snop  }
0x8: {  	s2 =	sld [smem:$0x3FD0];
	_ =	sdelay $0x2  }
0x9: {  	s16 =	simm.s32 $0xA;
	s4 =	simm.s32 $0x10  }
0xa: {  	[smem:s4], [sflag:s16] =	dma.local [hbm:s2], $0x1  }
0xb: {  	_ =	swait.eq [sflag:s16], $0x1  }
0xc: {  	[sflag:s16] =	ssyncset.done $0x0  }
0xd: {  	[sflag:s16] =	ssyncadd.s32 $0xFFFFFFFF  }
0xe: {  	s17 =	sld [smem:$0x10];
	(tm) =	ssettm $0x1  }
0xf: {  	s18 =	sld [smem:$0x3FFB];
	_ =	sdelay $0x3  }
0x10: {  	_ =	strace s18  }
0x11: {  	s3 =	sld [smem:$0x3FFC];
	_ =	sdelay $0x3  }
0x12: {  	_ =	strace s3  }
0x13: {  	s3 =	sld [smem:$0x3FFD];
	_ =	sdelay $0x3  }
0x14: {  	_ =	strace s3  }
0x15: {  	_ =	strace $0x8FFFFFFF  }
0x16: {  	s19 =	sld [smem:$0x3FDB];
	_ =	sdelay $0x1  }
0x17: {  	s20 =	simm.s32 $_scs_section_size  }
0x18: {  	s5 =	simm.s32 $_size__tile_overlayer_lowered;
	s6 =	simm.s32 $_tile_overlayer_lowered  }
0x19: {  	s23 =	simm.s32 $0x1BFF;
	s22 =	sshll.u32 s6, $0x1;
	s3 =	sadd.s32 s20, s19  }
0x1a: {  	s7 =	simm.s32 $0x0;
	s21 =	sshll.u32 s5, $0x1;
	s5 =	sadd.s32 s22, s3  }
0x1b: {  	[timem:s7], [sflag:s23] =	dma.local [hbm:s5], s21  }
0x1c: {  	_ =	swait.ge [sflag:s23], s21  }
0x1d: {  	s4 =	ssub.s32 $0x0, s21;
	[sflag:s23] =	ssyncset.done $0x0  }
0x1e: {  	[sflag:s23] =	ssyncadd.s32 s4;
	_ =	sdelay $0x1  }
0x1f: {  	s24 =	simm.s32 $0x1B8B  }
0x20: {  	_ =	swait.ge [sflag:s24], $0x1  }
0x21: {  	[sflag:s24] =	ssyncset.done $0x0  }
0x22: {  	s26 =	simm.s32 $0x1B8E;
	s25 =	sld [smem:$0x3FFE];
	[sflag:s24] =	ssyncadd.s32 $0xFFFFFFFF  }
0x23: {  	s27 =	simm.s32 $execute0_lowered;
	[smem:$0x3FD2] =	sst s26  }
0x24: {  	s5 =	sshll.u32 s27, $0x1;
	_ =	strace $0x80000049;
	[dreg:$0x1] =	wrdreg $0xFFFFFFFF  }
0x25: {  	s28 =	simm.s32 $_size_execute0_lowered;
	s3 =	sadd.s32 s3, s5;
	[dreg:$0x0] =	wrdreg $0x0  }
0x26: {  	s5 =	sshll.u32 s28, $0x1;
	[dreg:$0x2] =	wrdreg s3  }
0x27: {  	[dreg:$0x3] =	wrdreg s5  }
0x28: {  	[dreg:$0x4] =	wrdreg $0xC0  }
0x29: {  	_ =	task [dreg:s7], $0x5FFFF  }
0x2a: {  	[dreg:$0x1] =	wrdreg $0xFFFFFFFF  }
0x2b: {  	[dreg:$0x0] =	wrdreg $0x60  }
0x2c: {  	[dreg:$0x2] =	wrdreg s25  }
0x2d: {  	[dreg:$0x3] =	wrdreg s17  }
0x2e: {  	[dreg:$0x4] =	wrdreg $0x9  }
0x2f: {  	_ =	task.clear_ibuf [dreg:s7], $0x5FFFF;
	_ =	strace $0x90000049  }
0x30: {  	s29 =	simm.s32 $0x9;
	_ =	strace $0x8000004B  }
0x31: {  	_ =	swait.ge [sflag:s29], $0x1  }
0x32: {  	[sflag:s29] =	ssyncadd.s32 $0xFFFFFFFF  }
0x33: {  	_ =	strace $0x9000004B  }
0x34: {  	_ =	sfence  }
0x35: {  	s30 =	sld [smem:$0x0];
	_ =	sdelay $0x2  }
0x36: {  	s31 =	sshll.u32 s1, $0xD;
	s1 =	sshrl.u32 s1, $0x2  }
0x37: {  	s3 =	sand.u32 $0x4000, s31;
	s1 =	sadd.s32 s1, s30  }
0x38: {  	s0 =	sor.u32 s3, s0;
	s1 =	sshll.u32 s1, $0x11  }
0x39: {  	s0 =	sor.u32 s1, s0  }
0x3a: {  	s0 =	sadd.s32 $0x8F2B, s0  }
0x3b: {  	[sflag:s0] =	ssyncadd.remote.s32 $0x1  }
0x3c: {  	_ =	sfence.sel $0xFFFF  }
0x3d: {  	[dreg:$0x0] =	wrdreg $0xFFFFFFFF;
	(pc) =	sbr.abs _section_cstart, $3  }
0x3e: {  	[dreg:$0x1] =	wrdreg $0xFFFFFFFF  }
0x3f: {  	_ =	task.clear_ibuf [dreg:s7], $0x2FFFF;
	_ =	strace $0x9FFFFFFF  }
0x40: {  	(tm) =	ssettm $0x7FFFFFFF  }
0x41: {  	_ =	shalt  }
tec
execute0_lowered:
.L_overlay_start_1:
0x0: {  	(tag) =	ssettag $0x1  }
0x1: {  	s0 =	srdreg.scid  }
0x2: {  	s5 =	rddreg [dreg:$0x0];
	s1 =	sshll.u32 s0, $0x4  }
0x3: {  	s2 =	rddreg [dreg:$0x1];
	s0 =	stileid.u32;
	s1 =	sand.u32 $0x10, s1  }
0x4: {  	s4 =	simm.s32 $0x1;
	s8 =	simm.s32 $0x2;
	s1 =	sor.u32 s0, s1  }
0x5: {  	s12 =	simm.s32 $0x0;
	s9 =	simm.s32 $0x0;
	s3 =	sshll.u32 s1, $0x7  }
0x6: {  	s11 =	simm.s32 $0x0;
	s5 =	sadd.s32 $0x3E9A00, s5;
	s6 =	ssub.s32 $0x61A800, s3  }
.Ltmp0:
0x7: {  	s1 =	rddreg [dreg:$0x2];
	s7 =	sand.u32 $0xF80, s6;
	(pc) =	sbr.rel .LBB1_1-.Ltmp0, $4  }
0x8: {  	_ =	strace $0x8000004A;
	p0 =	sne.s32 s7, $0x0;
	s7 =	simm.s32 $0x1  }
0x9: {  	[sflag:s4] =	ssyncpa.u1 $0x0;
	s6 =	sshrl.u32 s6, $0xC;
	s7 =	simm.s32 @!p0 $0x0  }
0xa: {  	s10 =	smov.u32 s3;
	[sflag:s8] =	ssyncpa.u1 $0x0;
	s6 =	sadd.s32 s7, s6  }
0xb: {  	s8 =	simm.s32 $0x186A000;
	p0 =	por $0x0, $0x0;
	s7 =	sadd.s32 $0x1, s6  }
.LBB1_4:
0xc: {  	s15 =	sshll.u32 s9, $0x2;
	p1 =	sgt.s32 s9, $0x61A780  }
0xd: {  	s17 =	smov.u32 s9;
	s18 =	sshra.s32 s9, $0x1F;
	s16 =	sshrl.u32 s15, $0xB  }
0xe: {  	s17 =	simm.s32 @!p1 $0x61A780;
	s18 =	sand.u32 s18, s9;
	s16 =	smulhi.u32 $0x14F8B6, s16  }
0xf: {  	s19 =	sand.u32 $0x7F, s9;
	s15 =	sand.u32 $0xFFFFFE00, s15;
	s17 =	ssub.s32 s17, s18  }
0x10: {  	s17 =	sadd.s32 $0xFF9E5880, s17;
	s26 =	smul.u32 $0x61A800, s16  }
0x11: {  	s15 =	sor.u32 s19, s15;
	s16 =	sand.u32 $0x3, s16;
	s27 =	sshll.u32 s17, $0x4  }
0x12: {  	s28 =	ssub.s32 $0x800, s27;
	s16 =	smul.u32 $0xC3500, s16;
	s15 =	ssub.s32 s15, s26  }
0x13: {  	p1 =	sgt.s32 s17, $0x7F;
	s17 =	sshrl.u32 s28, $0x2;
	s29 =	sand.u32 $0x7, s15  }
0x14: {  	s15 =	sshrl.u32 s15, $0x3;
	s16 =	sadd.s32 s2, s16;
	s18 =	sshll.u32 s29, $0x12  }
0x15: {  	[tilespmem:s14+$0x0 ss:$0x81] =	vst.msk $0xffff, v0;
	s17 =	simm.s32 @p1 $0x0;
	s30 =	sadd.s32 s15, s16;
	s31 =	sor.u32 $0x200, s18  }
0x16: {  	[hbm4b:s30+s31] =	stream.strided.scatter [tilespmem:s13], [sflag:$0x2], s17, s8, s31, $0x20;
	[tilespmem:$0x4040] =	vst v63  }
.LBB1_5:
0x17: {  	p1 =	slt.u32 s11, $0x2  }
0x18: {  	p2 =	sgt.s32 @!p1 s12, $0x61A780  }
0x19: {  	s13 =	smov.u32 s12;
	s14 =	sshra.s32 @!p1 s12, $0x1F;
	p2 =	por !p2, p1  }
0x1a: {  	s12 =	sand.u32 @!p1 s14, s12;
	s13 =	simm.s32 @p2 $0x61A780  }
0x1b: {  	s12 =	ssub.s32 @!p1 s13, s12  }
0x1c: {  	s12 =	sadd.s32 @!p1 $0xFF9E5880, s12  }
0x1d: {  	s13 =	sshll.u32 @!p1 s12, $0x4  }
0x1e: {  	p2 =	sgt.s32 @!p1 s12, $0x7F;
	s12 =	ssub.s32 @!p1 $0x800, s13  }
0x1f: {  	s14 =	sadd.s32 $0x1000, s10;
	p2 =	por !p2, p1;
	s12 =	sshrl.u32 @!p1 s12, $0x2  }
0x20: {  	s12 =	simm.s32 @!p2 $0x0;
	p2 =	sgt.s32 s14, $0x61A7FF  }
0x21: {  	s14 =	smov.u32 @p2 s3;
	p2 =	sne.s32 s11, s7  }
.Ltmp1:
0x22: {  	_ = 	snop;
	(pc) =	sbr.rel @!p2 .LBB1_6-.Ltmp1, $4  }
0x23: {  	s13 =	simm.s32 @!p1 $0x2  }
0x24: {  	p0 =	por !p0, !p0;
	_ =	swait.ge @!p1 [sflag:s13], s12;
	s15 =	ssub.s32 @!p1 $0x0, s12  }
0x25: {  	s12 =	smov.u32 s9;
	s11 =	sadd.s32 $0x1, s11;
	[sflag:s13] =	ssyncset.done @!p1 $0x0  }
0x26: {  	s9 =	smov.u32 s10;
	s10 =	smov.u32 s14;
	[sflag:s13] =	ssyncadd.s32 @!p1 s15  }
.LBB1_1:
0x27: {  	p1 =	sge.u32 s11, s6  }
0x28: {  	s13 =	sand.u32 @!p1 $0x1FFFFFF, s10  }
0x29: {  	s14 =	smulhi.u32 @!p1 $0x14F8B59, s13;
	_ =	sdelay $0x1  }
0x2a: {  	s14 =	sshrl.u32 @!p1 s14, $0xF  }
0x2b: {  	s14 =	smul.u32 @!p1 $0x61A800, s14;
	_ =	sdelay $0x1  }
0x2c: {  	s31 =	sadd.s32 $0xFFFFFFFF, s11;
	s15 =	sxor.u32 @!p1 $0xFFFFFFFF, s11;
	s13 =	ssub.s32 @!p1 s13, s14  }
0x2d: {  	s16 =	simm.s32 @!p1 $0x80;
	s15 =	sshll.u32 @!p1 s15, $0xC;
	s13 =	sshll.u32 @!p1 s13, $0x4  }
0x2e: {  	s14 =	sand.u32 @!p1 $0x1000, s15;
	s15 =	simm.s32 @!p1 $0x20;
	s13 =	sadd.s32 @!p1 s5, s13  }
0x2f: {  	[tilespmem:s14], [sflag:$0x1] =	stream.strided.gather @!p1 [hbm4b:s13+s15], $0x1000, s16, s15, $0x38;
	[tilespmem:$0x4040] =	vst v63  }
0x30: {  	p1 =	sge.u32 s31, s6  }
.Ltmp2:
0x31: {  	_ = 	snop;
	(pc) =	sbr.rel @p1 .LBB1_5-.Ltmp2, $1  }
0x32: {  	_ =	sdelay $0x3  }
0x33: {  	s13 =	simm.s32 $0x1  }
0x34: {  	_ =	swait.ge [sflag:s4], $0x1000;
	s13 =	simm.s32 @!p0 $0x0  }
0x35: {  	[sflag:s4] =	ssyncset.done $0x0;
	s14 =	sshll.u32 s13, $0xC  }
0x36: {  	[sflag:s4] =	ssyncadd.s32 $0xFFFFF000;
	s17 =	sor.u32 $0x10, s14  }
0x37: {  	s13 =	smul.u32 $0x4080, s13;
	v1 =	vld [tilespmem:s17+$0x0]  }
0x38: {  	s30 =	sand.u32 $0x1, s11;
	v0 =	vld [tilespmem:s17+$0xFFFFFFF0]  }
0x39: {  	s14 =	smul.u32 $0x4080, s30;
	s13 =	sshrl.u32 s13, $0x2  }
0x3a: {  	s15 =	sor.u32 $0x2000, s13  }
0x3b: {  	s31 =	sshrl.u32 s14, $0x2;
	s14 =	sadd.s32 $0x0, s15  }
0x3c: {  	s16 =	simm.s32 $0x4;
	s17 =	sadd.s32 $0x20, s17;
	s13 =	sor.u32 $0x2000, s31;
	[tilespmem:s14+$0x810 ss:$0x81] =	vst.msk $0xffff, v1  }
.LBB1_3:
0x3d: {  	v1 =	vld [tilespmem:s17+$0x0];
	p1 =	sne.s32 s16, $0x1FC;
	[tilespmem:s14+$0x0 ss:$0x81] =	vst.msk $0xffff, v0;
	s14 =	smov.u32 s16;
	s16 =	sadd.s32 $0x4, s16  }
.Ltmp3:
0x3e: {  	v0 =	vld [tilespmem:s17+$0xFFFFFFF0];
	(pc) =	sbr.rel @p1 .LBB1_3-.Ltmp3, $4  }
0x3f: {  	_ = 	snop  }
0x40: {  	s14 =	sshra.s32 s14, $0x2  }
0x41: {  	s14 =	sadd.s32 s14, s15  }
0x42: {  	s17 =	sadd.s32 $0x20, s17;
	[tilespmem:s14+$0x810 ss:$0x81] =	vst.msk $0xffff, v1  }
.Ltmp4:
0x43: {  	_ = 	snop;
	(pc) =	sbr.rel .LBB1_4-.Ltmp4, $1  }
0x44: {  	_ =	sdelay $0x3  }
.LBB1_6:
0x45: {  	_ =	sfence.sel $0x180000  }
0x46: {  	s2 =	simm.s32 $0x1;
	[bflag:$0x0] =	sbarrier.arrive $0xFFFF  }
0x47: {  	s31 =	simm.s32 $0x2;
	[sflag:s2] =	ssyncpa.u1 $0x1  }
0x48: {  	[sflag:s31] =	ssyncpa.u1 $0x1  }
0x49: {  	p0 =	sne.s32 s0, $0x0;
	_ =	strace $0x9000004A  }
0x4a: {  	s0 =	sadd.s32 @!p0 $0x100000, s1;
	[bflag:$0x2] =	sbarrier.arrive $0xFFFF  }
0x4b: {  	[sflag:s0] =	ssyncadd.tile.s32 @!p0 $0x1;
	_ =	shalt  }
.Lfunc_end1:
_tile_overlayer_lowered:
.L_overlay_start_2:
0x4c: {  	(tag) =	ssettag $0x2  }
0x4d: {  	s0 =	rddreg [dreg:$0x0];
	s2 =	stileid.u32  }
0x4e: {  	s1 =	rddreg [dreg:$0x1];
	p0 =	sne.s32 s2, $0x0  }
0x4f: {  	s3 =	rddreg [dreg:$0x2];
	[bflag:$0x3] =	sbarrier.arrive $0xFFFF;
	s2 =	simm.s32 @!p0 $0x1C01  }
0x50: {  	[timem:s3], [sflag:s2] =	dma.local @!p0 [hbm:s0], s1  }
0x51: {  	s0 =	simm.s32 @!p0 $0x1  }
0x52: {  	_ =	swait.ge @!p0 [sflag:s0], s1  }
0x53: {  	s1 =	ssub.s32 @!p0 $0x0, s1;
	[sflag:s0] =	ssyncset.done @!p0 $0x0  }
0x54: {  	[sflag:s0] =	ssyncadd.s32 @!p0 s1  }
0x55: {  	[bflag:$0x3] =	sbarrier.arrive $0xFFFF  }
0x56: {  	_ =	shalt  }

</sc_bundles>
